<compile_context>
chip_gen: v7x
topology: tpu7x:2x2x1
jax: 0.10.2.dev20260603
libtpu: 0.0.44.dev20260713+nightly
codegen_flags: <defaults>
</compile_context>

<pallas_src>
import jax
import jax.numpy as jnp
from jax.experimental import pallas as pl

_TAPS = ((18, 1, 0), (19, 1, 1), (34, 0, 0), (35, 0, 1), (50, 2, 0), (51, 2, 1))


def _patch_body(x_ref, u_ref, o_ref):
    u = u_ref[...]
    col = jax.lax.broadcasted_iota(jnp.int32, (1, 128), 1)
    patch = jnp.zeros((1, 128), jnp.float32)
    for c, j, d in _TAPS:
        patch = jnp.where(col == c, u[0, j, d], patch)
    o_ref[...] = x_ref[...] + patch


def kernel(x, update):
    x2 = x.reshape(1024, 32768)
    u = update.reshape(4, 3, 2)
    out = pl.pallas_call(
        _patch_body,
        grid=(8,),
        in_specs=[
            pl.BlockSpec((128, 128), lambda i: (i, 0)),
            pl.BlockSpec((1, 3, 2), lambda i: (i // 2, 0, 0)),
        ],
        out_specs=pl.BlockSpec((128, 128), lambda i: (i, 0)),
        out_shape=jax.ShapeDtypeStruct(x2.shape, x2.dtype),
        input_output_aliases={0: 0},
    )(x2, u)
    return out.reshape(x.shape)

# --- scband reference (transcript-rebuilt; emitter-appended) ---
"""Pipeline reference for scband-index-put-model-11879879541159 (READ-ONLY COPY).

The authoritative reference and input builder live on the scoring server;
editing this copy changes nothing except your own understanding.
"""

import jax, jax.numpy as jnp
import numpy as np


def setup_inputs(seed: int = 0) -> dict:
    key = jax.random.key(seed)
    k1, k2 = jax.random.split(key)
    x = jax.random.normal(k1, (4, 4, 64, 2048, 16), dtype=jnp.float32)
    update = jax.random.normal(k2, (4, 1, 1, 3, 2), dtype=jnp.float32)
    return {"x": x, "update": update}


def reference(x, update):
    # Faithful translation of: x[..., torch.tensor([2, 1, 3]), 2:4] += update; return x
    # Single advanced index tensor on dim -2, slice 2:4 on dim -1.
    # x[..., idx, 2:4] has shape x.shape[:-2] + (3, 2); update broadcasts into it.
    idx = jnp.array([2, 1, 3], dtype=jnp.int32)
    out = x.at[..., idx, 2:4].add(update)
    return out

if __name__ == "__main__":
    import jax
    _d = setup_inputs()
    print(jax.jit(kernel)(*tuple(_d.values())))

</pallas_src>

<mosaic_0001>
module attributes {stable_mosaic.version = 14 : i64} {
  func.func @_patch_body(%arg0: i32, %arg1: memref<128x128xf32, #tpu.memory_space<vmem>>, %arg2: memref<1x3x2xf32, #tpu.memory_space<vmem>>, %arg3: memref<128x128xf32, #tpu.memory_space<vmem>>) attributes {dimension_semantics = [#tpu.dimension_semantics<arbitrary>], iteration_bounds = array<i64: 8>, scalar_prefetch = 0 : i64, scratch_operands = 0 : i64, tpu.core_type = #tpu.core_type<tc>, window_params = [{transform_indices = @transform_0, window_bounds = array<i64: 128, 128>}, {transform_indices = @transform_1, window_bounds = array<i64: 1, 3, 2>}, {transform_indices = @transform_2, window_bounds = array<i64: 128, 128>}]} {
    %get3A = arith.constant 0 : index
    %get3A_0 = arith.constant 0 : index
    %get3A_1 = arith.constant 0 : index
    %get3A_2 = vector.load %arg2[%get3A, %get3A_0, %get3A_1] : memref<1x3x2xf32, #tpu.memory_space<vmem>>, vector<1x3x2xf32>
    %iota3A = tpu.iota {dimensions = array<i32: 1>} : vector<1x128xi32>
    %broadcast_in_dim3A = arith.constant 0.000000e+00 : f32
    %broadcast_in_dim3A_3 = vector.broadcast %broadcast_in_dim3A : f32 to vector<1x128xf32>
    %eq3A = arith.constant 18 : i32
    %eq3A_4 = vector.broadcast %eq3A : i32 to vector<1x128xi32>
    %eq3A_5 = arith.cmpi eq, %iota3A, %eq3A_4 : vector<1x128xi32>
    %slice3A = vector.extract_strided_slice %get3A_2 {offsets = [0, 1, 0], sizes = [1, 1, 1], strides = [1, 1, 1]} : vector<1x3x2xf32> to vector<1x1x1xf32>
    %squeeze3A = vector.extract %slice3A[0, 0, 0] : f32 from vector<1x1x1xf32>
    %broadcast_in_dim3A_6 = vector.broadcast %squeeze3A : f32 to vector<1x128xf32>
    %select_n3A = arith.select %eq3A_5, %broadcast_in_dim3A_6, %broadcast_in_dim3A_3 : vector<1x128xi1>, vector<1x128xf32>
    %eq3A_7 = arith.constant 19 : i32
    %eq3A_8 = vector.broadcast %eq3A_7 : i32 to vector<1x128xi32>
    %eq3A_9 = arith.cmpi eq, %iota3A, %eq3A_8 : vector<1x128xi32>
    %slice3A_10 = vector.extract_strided_slice %get3A_2 {offsets = [0, 1, 1], sizes = [1, 1, 1], strides = [1, 1, 1]} : vector<1x3x2xf32> to vector<1x1x1xf32>
    %squeeze3A_11 = vector.extract %slice3A_10[0, 0, 0] : f32 from vector<1x1x1xf32>
    %broadcast_in_dim3A_12 = vector.broadcast %squeeze3A_11 : f32 to vector<1x128xf32>
    %select_n3A_13 = arith.select %eq3A_9, %broadcast_in_dim3A_12, %select_n3A : vector<1x128xi1>, vector<1x128xf32>
    %eq3A_14 = arith.constant 34 : i32
    %eq3A_15 = vector.broadcast %eq3A_14 : i32 to vector<1x128xi32>
    %eq3A_16 = arith.cmpi eq, %iota3A, %eq3A_15 : vector<1x128xi32>
    %slice3A_17 = vector.extract_strided_slice %get3A_2 {offsets = [0, 0, 0], sizes = [1, 1, 1], strides = [1, 1, 1]} : vector<1x3x2xf32> to vector<1x1x1xf32>
    %squeeze3A_18 = vector.extract %slice3A_17[0, 0, 0] : f32 from vector<1x1x1xf32>
    %broadcast_in_dim3A_19 = vector.broadcast %squeeze3A_18 : f32 to vector<1x128xf32>
    %select_n3A_20 = arith.select %eq3A_16, %broadcast_in_dim3A_19, %select_n3A_13 : vector<1x128xi1>, vector<1x128xf32>
    %eq3A_21 = arith.constant 35 : i32
    %eq3A_22 = vector.broadcast %eq3A_21 : i32 to vector<1x128xi32>
    %eq3A_23 = arith.cmpi eq, %iota3A, %eq3A_22 : vector<1x128xi32>
    %slice3A_24 = vector.extract_strided_slice %get3A_2 {offsets = [0, 0, 1], sizes = [1, 1, 1], strides = [1, 1, 1]} : vector<1x3x2xf32> to vector<1x1x1xf32>
    %squeeze3A_25 = vector.extract %slice3A_24[0, 0, 0] : f32 from vector<1x1x1xf32>
    %broadcast_in_dim3A_26 = vector.broadcast %squeeze3A_25 : f32 to vector<1x128xf32>
    %select_n3A_27 = arith.select %eq3A_23, %broadcast_in_dim3A_26, %select_n3A_20 : vector<1x128xi1>, vector<1x128xf32>
    %eq3A_28 = arith.constant 50 : i32
    %eq3A_29 = vector.broadcast %eq3A_28 : i32 to vector<1x128xi32>
    %eq3A_30 = arith.cmpi eq, %iota3A, %eq3A_29 : vector<1x128xi32>
    %slice3A_31 = vector.extract_strided_slice %get3A_2 {offsets = [0, 2, 0], sizes = [1, 1, 1], strides = [1, 1, 1]} : vector<1x3x2xf32> to vector<1x1x1xf32>
    %squeeze3A_32 = vector.extract %slice3A_31[0, 0, 0] : f32 from vector<1x1x1xf32>
    %broadcast_in_dim3A_33 = vector.broadcast %squeeze3A_32 : f32 to vector<1x128xf32>
    %select_n3A_34 = arith.select %eq3A_30, %broadcast_in_dim3A_33, %select_n3A_27 : vector<1x128xi1>, vector<1x128xf32>
    %eq3A_35 = arith.constant 51 : i32
    %eq3A_36 = vector.broadcast %eq3A_35 : i32 to vector<1x128xi32>
    %eq3A_37 = arith.cmpi eq, %iota3A, %eq3A_36 : vector<1x128xi32>
    %slice3A_38 = vector.extract_strided_slice %get3A_2 {offsets = [0, 2, 1], sizes = [1, 1, 1], strides = [1, 1, 1]} : vector<1x3x2xf32> to vector<1x1x1xf32>
    %squeeze3A_39 = vector.extract %slice3A_38[0, 0, 0] : f32 from vector<1x1x1xf32>
    %broadcast_in_dim3A_40 = vector.broadcast %squeeze3A_39 : f32 to vector<1x128xf32>
    %select_n3A_41 = arith.select %eq3A_37, %broadcast_in_dim3A_40, %select_n3A_34 : vector<1x128xi1>, vector<1x128xf32>
    %get3A_42 = arith.constant 0 : index
    %get3A_43 = arith.constant 0 : index
    %get3A_44 = vector.load %arg1[%get3A_42, %get3A_43] : memref<128x128xf32, #tpu.memory_space<vmem>>, vector<128x128xf32>
    %add3A = vector.broadcast %select_n3A_41 : vector<1x128xf32> to vector<128x128xf32>
    %add3A_45 = arith.addf %get3A_44, %add3A : vector<128x128xf32>
    %swap3A = arith.constant 0 : index
    %swap3A_46 = arith.constant 0 : index
    %swap3A_47 = vector.load %arg3[%swap3A, %swap3A_46] : memref<128x128xf32, #tpu.memory_space<vmem>>, vector<128x128xf32>
    tpu.vector_store %arg3[%swap3A, %swap3A_46], %add3A_45 {strides = array<i32>} : memref<128x128xf32, #tpu.memory_space<vmem>>, vector<128x128xf32>,
    return
  }
  func.func @transform_0(%arg0: i32) -> (i32, i32) {
    %c0_i32 = arith.constant 0 : i32
    %c0_i32_0 = arith.constant 0 : i32
    return %arg0, %c0_i32 : i32, i32
  }
  func.func @transform_1(%arg0: i32) -> (i32, i32, i32) {
    %jit3A = arith.constant 2 : i32
    %div3A = arith.divsi %arg0, %jit3A : i32
    %sign3A = arith.constant 0 : i32
    %sign3A_0 = arith.cmpi sgt, %arg0, %sign3A : i32
    %sign3A_1 = arith.extui %sign3A_0 : i1 to i32
    %sign3A_2 = arith.constant 0 : i32
    %sign3A_3 = arith.cmpi slt, %arg0, %sign3A_2 : i32
    %sign3A_4 = arith.extui %sign3A_3 : i1 to i32
    %sign3A_5 = arith.subi %sign3A_1, %sign3A_4 : i32
    %sign3A_6 = arith.constant 0 : i32
    %sign3A_7 = arith.cmpi sgt, %jit3A, %sign3A_6 : i32
    %sign3A_8 = arith.extui %sign3A_7 : i1 to i32
    %sign3A_9 = arith.constant 0 : i32
    %sign3A_10 = arith.cmpi slt, %jit3A, %sign3A_9 : i32
    %sign3A_11 = arith.extui %sign3A_10 : i1 to i32
    %sign3A_12 = arith.subi %sign3A_8, %sign3A_11 : i32
    %ne3A = arith.cmpi ne, %sign3A_5, %sign3A_12 : i32
    %rem3A = arith.remsi %arg0, %jit3A : i32
    %ne3A_13 = arith.constant 0 : i32
    %ne3A_14 = arith.cmpi ne, %rem3A, %ne3A_13 : i32
    %and3A = arith.andi %ne3A, %ne3A_14 : i1
    %sub3A = arith.constant 1 : i32
    %sub3A_15 = arith.subi %div3A, %sub3A : i32
    %select_n3A = arith.select %and3A, %sub3A_15, %div3A : i32
    %c0_i32 = arith.constant 0 : i32
    %c0_i32_16 = arith.constant 0 : i32
    %c0_i32_17 = arith.constant 0 : i32
    return %select_n3A, %c0_i32, %c0_i32_16 : i32, i32, i32
  }
  func.func @transform_2(%arg0: i32) -> (i32, i32) {
    %c0_i32 = arith.constant 0 : i32
    %c0_i32_0 = arith.constant 0 : i32
    return %arg0, %c0_i32 : i32, i32
  }
}

</mosaic_0001>

<sc_bundles>
// kernel: sparse-core-data-format-call.cloned.1.call-start
scs
called_computation_lowered:
.L_overlay_start_0:
0x0: {  	s2 =	sld [smem:$0x3FD9]  }
0x1: {  	s3 =	sld [smem:$0x3FFE];
	_ =	sdelay $0x1  }
0x2: {  	s1 =	srdreg.scid  }
0x3: {  	s0 =	sand.u32 $0x1, s1  }
0x4: {  	s18 =	sshll.u32 s0, $0xA;
	s2 =	sadd.s32 s3, s2  }
0x5: {  	s2 =	sadd.s32 s2, s18  }
0x6: {  	[smem:$0x3FC6] =	sst s2  }
0x7: {  	_ = 	snop  }
0x8: {  	s2 =	sld [smem:$0x3FD0];
	(tm) =	ssettm $0x1  }
0x9: {  	s19 =	sld [smem:$0x3FFB];
	_ =	sdelay $0x3  }
0xa: {  	_ =	strace s19  }
0xb: {  	s3 =	sld [smem:$0x3FFC];
	_ =	sdelay $0x3  }
0xc: {  	_ =	strace s3  }
0xd: {  	s3 =	sld [smem:$0x3FFD];
	_ =	sdelay $0x3  }
0xe: {  	_ =	strace s3  }
0xf: {  	_ =	strace $0x8FFFFFFF  }
0x10: {  	s20 =	sld [smem:$0x3FDB];
	_ =	sdelay $0x1  }
0x11: {  	s4 =	simm.s32 $_scs_section_size  }
0x12: {  	s5 =	simm.s32 $_size__tile_overlayer_lowered;
	s6 =	simm.s32 $_tile_overlayer_lowered  }
0x13: {  	s23 =	simm.s32 $0x1BFF;
	s22 =	sshll.u32 s6, $0x1;
	s3 =	sadd.s32 s4, s20  }
0x14: {  	s7 =	simm.s32 $0x0;
	s21 =	sshll.u32 s5, $0x1;
	s5 =	sadd.s32 s22, s3  }
0x15: {  	[timem:s7], [sflag:s23] =	dma.local [hbm:s5], s21  }
0x16: {  	_ =	swait.ge [sflag:s23], s21  }
0x17: {  	s4 =	ssub.s32 $0x0, s21;
	[sflag:s23] =	ssyncset.done $0x0  }
0x18: {  	[sflag:s23] =	ssyncadd.s32 s4;
	_ =	sdelay $0x1  }
0x19: {  	s24 =	simm.s32 $0x1B8B  }
0x1a: {  	_ =	swait.ge [sflag:s24], $0x1  }
0x1b: {  	[sflag:s24] =	ssyncset.done $0x0  }
0x1c: {  	s26 =	simm.s32 $0x1B8E;
	s25 =	sld [smem:$0x3FFE];
	[sflag:s24] =	ssyncadd.s32 $0xFFFFFFFF  }
0x1d: {  	s27 =	simm.s32 $execute0_lowered;
	[smem:$0x3FD2] =	sst s26  }
0x1e: {  	s5 =	sshll.u32 s27, $0x1;
	_ =	strace $0x80000046;
	[dreg:$0x1] =	wrdreg $0xFFFFFFFF  }
0x1f: {  	s28 =	simm.s32 $_size_execute0_lowered;
	s3 =	sadd.s32 s3, s5;
	[dreg:$0x0] =	wrdreg $0x0  }
0x20: {  	s5 =	sshll.u32 s28, $0x1;
	[dreg:$0x2] =	wrdreg s3  }
0x21: {  	[dreg:$0x3] =	wrdreg s5  }
0x22: {  	[dreg:$0x4] =	wrdreg $0xC0  }
0x23: {  	_ =	task [dreg:s7], $0x5FFFF  }
0x24: {  	[dreg:$0x1] =	wrdreg $0xFFFFFFFF  }
0x25: {  	[dreg:$0x0] =	wrdreg $0x60  }
0x26: {  	[dreg:$0x2] =	wrdreg s25  }
0x27: {  	[dreg:$0x3] =	wrdreg s2  }
0x28: {  	[dreg:$0x4] =	wrdreg $0x9  }
0x29: {  	_ =	task.clear_ibuf [dreg:s7], $0x5FFFF;
	_ =	strace $0x90000046  }
0x2a: {  	s29 =	simm.s32 $0x9;
	_ =	strace $0x80000048  }
0x2b: {  	_ =	swait.ge [sflag:s29], $0x1  }
0x2c: {  	[sflag:s29] =	ssyncadd.s32 $0xFFFFFFFF  }
0x2d: {  	_ =	strace $0x90000048  }
0x2e: {  	_ =	sfence  }
0x2f: {  	s30 =	sld [smem:$0x0];
	_ =	sdelay $0x2  }
0x30: {  	s31 =	sshll.u32 s1, $0xD;
	s1 =	sshrl.u32 s1, $0x2  }
0x31: {  	s3 =	sand.u32 $0x4000, s31;
	s1 =	sadd.s32 s1, s30  }
0x32: {  	s0 =	sor.u32 s3, s0;
	s1 =	sshll.u32 s1, $0x11  }
0x33: {  	s0 =	sor.u32 s1, s0  }
0x34: {  	s0 =	sadd.s32 $0x8F2B, s0  }
0x35: {  	[sflag:s0] =	ssyncadd.remote.s32 $0x1  }
0x36: {  	_ =	sfence.sel $0xFFFF  }
0x37: {  	[dreg:$0x0] =	wrdreg $0xFFFFFFFF;
	(pc) =	sbr.abs _section_cstart, $3  }
0x38: {  	[dreg:$0x1] =	wrdreg $0xFFFFFFFF  }
0x39: {  	_ =	task.clear_ibuf [dreg:s7], $0x2FFFF;
	_ =	strace $0x9FFFFFFF  }
0x3a: {  	(tm) =	ssettm $0x7FFFFFFF  }
0x3b: {  	_ =	shalt  }
tec
execute0_lowered:
.L_overlay_start_1:
0x0: {  	(tag) =	ssettag $0x1  }
0x1: {  	s0 =	stileid.u32;
	s2 =	srdreg.scid  }
0x2: {  	s7 =	rddreg [dreg:$0x0];
	s5 =	simm.s32 $0x1;
	s31 =	simm.s32 $0x2  }
0x3: {  	s15 =	simm.s32 $0x0;
	s9 =	simm.s32 $0x8000;
	s17 =	simm.s32 $0x0  }
0x4: {  	s18 =	simm.s32 $0x0;
	s16 =	simm.s32 $0x0;
	s1 =	sshll.u32 s0, $0x7  }
0x5: {  	s10 =	simm.s32 $0x0;
	s11 =	simm.s32 $0x0;
	s3 =	ssub.s32 $0x800, s1  }
0x6: {  	s14 =	simm.s32 $0x0;
	s2 =	sand.u32 $0x1, s2;
	s4 =	sand.u32 $0x780, s3  }
0x7: {  	s7 =	sadd.s32 $0x600, s7;
	s6 =	ssub.s32 $0x10, s2;
	p0 =	sne.s32 s4, $0x0  }
0x8: {  	s3 =	sshrl.u32 s3, $0xB;
	s8 =	sshrl.u32 s6, $0x1;
	s5 =	simm.s32 @!p0 $0x0  }
.Ltmp0:
0x9: {  	s6 =	ssub.s32 s6, s8;
	s5 =	sadd.s32 s5, s3;
	(pc) =	sbr.rel .LBB1_1-.Ltmp0, $4  }
0xa: {  	s12 =	smov.u32 s2;
	s4 =	rddreg [dreg:$0x1];
	s6 =	smul.u32 s5, s6  }
0xb: {  	s3 =	rddreg [dreg:$0x2];
	_ =	strace $0x80000047;
	s5 =	simm.s32 $0x1  }
0xc: {  	s13 =	smov.u32 s1;
	[sflag:s5] =	ssyncpa.u1 $0x0;
	s6 =	sshll.u32 s6, $0x4  }
0xd: {  	p0 =	por $0x0, $0x0;
	[sflag:s31] =	ssyncpa.u1 $0x0;
	s8 =	sor.u32 $0x1, s6  }
.LBB1_4:
0xe: {  	s21 =	sshll.u32 s16, $0x3;
	s22 =	sand.u32 $0x78, s16;
	s28 =	sshll.u32 s18, $0xB  }
0xf: {  	s29 =	sshll.u32 s18, $0x7;
	s17 =	sshll.u32 s17, $0x14;
	s23 =	sand.u32 $0x400, s21  }
0x10: {  	s21 =	sand.u32 $0x7C00, s21;
	s22 =	sor.u32 s22, s23;
	s23 =	sand.u32 $0x4000, s28  }
0x11: {  	s15 =	sshll.u32 s15, $0x12;
	s30 =	sand.u32 $0x7, s16;
	s21 =	sadd.s32 s21, s23  }
0x12: {  	s18 =	sand.u32 $0x380, s29;
	s17 =	sadd.s32 s4, s17;
	s21 =	sshrl.u32 s21, $0x3  }
0x13: {  	[tilespmem:s20+$0x810 ss:$0x81] =	vst.msk $0xffff, v2;
	s15 =	sadd.s32 s15, s17;
	s18 =	sor.u32 s18, s22;
	s21 =	sand.u32 $0xF00, s21  }
0x14: {  	[tilespmem:s20+$0x1020 ss:$0x81] =	vst.msk $0xffff, v0;
	s16 =	sshll.u32 s30, $0x12;
	s31 =	sshrl.u32 s18, $0x3;
	s15 =	sadd.s32 s21, s15  }
0x15: {  	[tilespmem:s20+$0x0 ss:$0x81] =	vst.msk $0xffff, v1;
	s16 =	sor.u32 $0x80, s16;
	s15 =	sadd.s32 s31, s15  }
0x16: {  	[hbm4b:s15+s16] =	stream.strided.scatter [tilespmem:s19], [sflag:$0x2], $0x2000, s9, s16, $0x20;
	[tilespmem:$0x8080] =	vst v63  }
.LBB1_5:
0x17: {  	s19 =	sadd.s32 $0x1, s10  }
0x18: {  	s15 =	simm.s32 $0x1;
	p2 =	sgt.s32 s19, $0x3  }
0x19: {  	s15 =	simm.s32 @!p2 $0x0  }
0x1a: {  	s20 =	sadd.s32 s15, s11  }
0x1b: {  	s21 =	smov.u32 s12;
	s15 =	sadd.s32 $0x2, s12;
	p3 =	sgt.s32 s20, $0x3  }
0x1c: {  	s21 =	smov.u32 @p3 s15  }
0x1d: {  	s22 =	smov.u32 s13;
	s15 =	sadd.s32 $0x800, s13;
	p4 =	sgt.s32 s21, $0xF  }
0x1e: {  	p1 =	slt.u32 s14, $0x2;
	s22 =	smov.u32 @p4 s15  }
0x1f: {  	s17 =	smov.u32 s11;
	s19 =	simm.s32 @p2 $0x0;
	p2 =	sgt.s32 s22, $0x7FF  }
0x20: {  	s23 =	simm.s32 @!p1 $0x2;
	s22 =	smov.u32 @p2 s1;
	p2 =	sne.s32 s14, s8  }
.Ltmp1:
0x21: {  	s18 =	smov.u32 s12;
	_ =	swait.ge @!p1 [sflag:s23], $0x2000;
	(pc) =	sbr.rel @!p2 .LBB1_6-.Ltmp1, $4  }
0x22: {  	s16 =	smov.u32 s13;
	[sflag:s23] =	ssyncset.done @!p1 $0x0;
	s20 =	simm.s32 @p3 $0x0  }
0x23: {  	p0 =	por !p0, !p0;
	[sflag:s23] =	ssyncadd.s32 @!p1 $0xFFFFE000;
	s11 =	smov.u32 s20  }
0x24: {  	s21 =	smov.u32 @p4 s2;
	s15 =	smov.u32 s10;
	s10 =	smov.u32 s19  }
0x25: {  	s12 =	smov.u32 s21;
	s14 =	sadd.s32 $0x1, s14;
	s13 =	smov.u32 s22  }
.LBB1_1:
0x26: {  	p1 =	sge.u32 s14, s6  }
0x27: {  	s31 =	sadd.s32 $0xFFFFFFFF, s14;
	s19 =	sxor.u32 @!p1 $0xFFFFFFFF, s14;
	s20 =	sshll.u32 @!p1 s13, $0xC  }
0x28: {  	s21 =	sshll.u32 @!p1 s12, $0x8;
	s22 =	sshll.u32 @!p1 s11, $0x6;
	s20 =	sadd.s32 @!p1 s7, s20  }
0x29: {  	s23 =	sshll.u32 @!p1 s10, $0x4;
	s19 =	sshll.u32 @!p1 s19, $0xD;
	s20 =	sadd.s32 @!p1 s21, s20  }
0x2a: {  	s19 =	sand.u32 @!p1 $0x2000, s19;
	s21 =	sand.u32 @!p1 $0x30, s23;
	s20 =	sadd.s32 @!p1 s22, s20  }
0x2b: {  	s22 =	simm.s32 @!p1 $0x8000;
	s20 =	sadd.s32 @!p1 s21, s20;
	s21 =	simm.s32 @!p1 $0x40  }
0x2c: {  	[tilespmem:s19], [sflag:$0x1] =	stream.strided.gather @!p1 [hbm4b:s20+s21], $0x2000, s22, s21, $0x38;
	[tilespmem:$0x8080] =	vst v63  }
0x2d: {  	p1 =	sge.u32 s31, s6  }
.Ltmp2:
0x2e: {  	_ = 	snop;
	(pc) =	sbr.rel @p1 .LBB1_5-.Ltmp2, $1  }
0x2f: {  	_ =	sdelay $0x3  }
0x30: {  	s19 =	simm.s32 $0x1  }
0x31: {  	_ =	swait.ge [sflag:s5], $0x2000;
	s19 =	simm.s32 @!p0 $0x0  }
0x32: {  	[sflag:s5] =	ssyncset.done $0x0;
	s20 =	sshll.u32 s19, $0xD  }
0x33: {  	[sflag:s5] =	ssyncadd.s32 $0xFFFFE000;
	s23 =	sor.u32 $0x20, s20  }
0x34: {  	s19 =	smul.u32 $0x8100, s19;
	v3 =	vld [tilespmem:s23+$0x10]  }
0x35: {  	s30 =	sand.u32 $0x1, s14;
	v2 =	vld [tilespmem:s23+$0xFFFFFFF0]  }
0x36: {  	s20 =	smul.u32 $0x8100, s30;
	s19 =	sshrl.u32 s19, $0x2;
	v0 =	vld [tilespmem:s23+$0x0]  }
0x37: {  	v1 =	vld [tilespmem:s23+$0xFFFFFFE0];
	s21 =	sor.u32 $0x4000, s19  }
0x38: {  	s31 =	sshrl.u32 s20, $0x2;
	s20 =	sadd.s32 $0x0, s21  }
0x39: {  	s22 =	simm.s32 $0x4;
	s23 =	sadd.s32 $0x40, s23;
	s19 =	sor.u32 $0x4000, s31;
	[tilespmem:s20+$0x1830 ss:$0x81] =	vst.msk $0xffff, v3  }
.LBB1_3:
0x3a: {  	v3 =	vld [tilespmem:s23+$0x10];
	p1 =	sne.s32 s22, $0x1FC;
	[tilespmem:s20+$0x810 ss:$0x81] =	vst.msk $0xffff, v2;
	s24 =	smov.u32 s22;
	s22 =	sadd.s32 $0x4, s22  }
.Ltmp3:
0x3b: {  	v2 =	vld [tilespmem:s23+$0xFFFFFFF0];
	[tilespmem:s20+$0x1020 ss:$0x81] =	vst.msk $0xffff, v0;
	(pc) =	sbr.rel @p1 .LBB1_3-.Ltmp3, $4  }
0x3c: {  	v0 =	vld [tilespmem:s23+$0x0];
	[tilespmem:s20+$0x0 ss:$0x81] =	vst.msk $0xffff, v1  }
0x3d: {  	s20 =	sshra.s32 s24, $0x2;
	v1 =	vld [tilespmem:s23+$0xFFFFFFE0]  }
0x3e: {  	s20 =	sadd.s32 s20, s21  }
0x3f: {  	s23 =	sadd.s32 $0x40, s23;
	[tilespmem:s20+$0x1830 ss:$0x81] =	vst.msk $0xffff, v3  }
.Ltmp4:
0x40: {  	_ = 	snop;
	(pc) =	sbr.rel .LBB1_4-.Ltmp4, $1  }
0x41: {  	_ =	sdelay $0x3  }
.LBB1_6:
0x42: {  	_ =	sfence.sel $0x180000  }
0x43: {  	s1 =	simm.s32 $0x1;
	[bflag:$0x0] =	sbarrier.arrive $0xFFFF  }
0x44: {  	s31 =	simm.s32 $0x2;
	[sflag:s1] =	ssyncpa.u1 $0x1  }
0x45: {  	[sflag:s31] =	ssyncpa.u1 $0x1  }
0x46: {  	p0 =	sne.s32 s0, $0x0;
	_ =	strace $0x90000047  }
0x47: {  	s0 =	sadd.s32 @!p0 $0x100000, s3;
	[bflag:$0x2] =	sbarrier.arrive $0xFFFF  }
0x48: {  	[sflag:s0] =	ssyncadd.tile.s32 @!p0 $0x1;
	_ =	shalt  }
.Lfunc_end1:
_tile_overlayer_lowered:
.L_overlay_start_2:
0x49: {  	(tag) =	ssettag $0x2  }
0x4a: {  	s0 =	rddreg [dreg:$0x0];
	s2 =	stileid.u32  }
0x4b: {  	s1 =	rddreg [dreg:$0x1];
	p0 =	sne.s32 s2, $0x0  }
0x4c: {  	s3 =	rddreg [dreg:$0x2];
	[bflag:$0x3] =	sbarrier.arrive $0xFFFF;
	s2 =	simm.s32 @!p0 $0x1C01  }
0x4d: {  	[timem:s3], [sflag:s2] =	dma.local @!p0 [hbm:s0], s1  }
0x4e: {  	s0 =	simm.s32 @!p0 $0x1  }
0x4f: {  	_ =	swait.ge @!p0 [sflag:s0], s1  }
0x50: {  	s1 =	ssub.s32 @!p0 $0x0, s1;
	[sflag:s0] =	ssyncset.done @!p0 $0x0  }
0x51: {  	[sflag:s0] =	ssyncadd.s32 @!p0 s1  }
0x52: {  	[bflag:$0x3] =	sbarrier.arrive $0xFFFF  }
0x53: {  	_ =	shalt  }

</sc_bundles>
